<compile_context>
chip_gen: v7x
topology: tpu7x:2x2x1
jax: 0.10.2.dev20260603
libtpu: 0.0.44.dev20260713+nightly
codegen_flags: <defaults>
</compile_context>

<pallas_src>
import functools

import jax
import jax.numpy as jnp
from jax import lax
from jax.experimental import pallas as pl
from jax.experimental.pallas import tpu as pltpu
from jax.experimental.pallas import tpu_sc as plsc

EPS = 1e-12
SC_CORES = 2
SC_SUBCORES = 16
NUM_TILES = SC_CORES * SC_SUBCORES


def _sc_gather(table, idx_flat):
    n = idx_flat.shape[0]
    e = table.shape[1]
    per_tile = n // NUM_TILES
    mesh = plsc.VectorSubcoreMesh(core_axis_name="c", subcore_axis_name="s")

    nchunk = 4
    ck = per_tile // nchunk

    @functools.partial(
        pl.kernel,
        mesh=mesh,
        out_type=jax.ShapeDtypeStruct((n, e), jnp.float32),
        scratch_types=[pltpu.VMEM((per_tile,), jnp.int32)]
        + [pltpu.VMEM((ck, e), jnp.float32) for _ in range(nchunk)]
        + [pltpu.SemaphoreType.DMA for _ in range(nchunk + 1)],
    )
    def gather_kernel(table_hbm, idx_hbm, out_hbm, idx_v, *bufs_sems):
        bufs = bufs_sems[:nchunk]
        gsem = bufs_sems[nchunk]
        wsems = bufs_sems[nchunk + 1:]
        wid = lax.axis_index("s") * SC_CORES + lax.axis_index("c")
        base = wid * per_tile
        pltpu.sync_copy(idx_hbm.at[pl.ds(base, per_tile)], idx_v)
        gathers = [
            pltpu.async_copy(
                table_hbm.at[idx_v.at[pl.ds(k * ck, ck)]], bufs[k], gsem
            )
            for k in range(nchunk)
        ]
        writes = []
        for k in range(nchunk):
            gathers[k].wait()
            writes.append(
                pltpu.async_copy(
                    bufs[k], out_hbm.at[pl.ds(base + k * ck, ck)], wsems[k]
                )
            )
        for wcopy in writes:
            wcopy.wait()

    return gather_kernel(table, idx_flat)


def _tc_combine(gathered, seg_ids_col, pos_emb, seg_pad, ln_w, ln_b, b, s):
    e = gathered.shape[1]
    tblk = 2048
    js = s // tblk

    def body(gw_ref, sid_ref, pos_ref, seg_ref, w_ref, b_ref, o_ref):
        x = gw_ref[...]
        sid = sid_ref[...]
        seg = jnp.where(sid == 0, seg_ref[0:1, :], seg_ref[1:2, :])
        x = x + seg + pos_ref[...]
        u = jnp.mean(x, axis=-1, keepdims=True)
        u2 = jnp.mean(x * x, axis=-1, keepdims=True)
        v = u2 - u * u
        o = (x - u) * lax.rsqrt(v + EPS)
        o_ref[0] = o * w_ref[...] + b_ref[...]

    out = pl.pallas_call(
        body,
        grid=(js, b),
        compiler_params=pltpu.CompilerParams(
            dimension_semantics=("parallel", "parallel")
        ),
        in_specs=[
            pl.BlockSpec((tblk, e), lambda j, i: (i * js + j, 0)),
            pl.BlockSpec((tblk, 1), lambda j, i: (i * js + j, 0)),
            pl.BlockSpec((tblk, e), lambda j, i: (j, 0)),
            pl.BlockSpec((8, e), lambda j, i: (0, 0)),
            pl.BlockSpec((1, e), lambda j, i: (0, 0)),
            pl.BlockSpec((1, e), lambda j, i: (0, 0)),
        ],
        out_specs=pl.BlockSpec(
            (1, tblk, e), lambda j, i: (i, j, 0)
        ),
        out_shape=jax.ShapeDtypeStruct((b, s, e), jnp.float32),
    )(gathered, seg_ids_col, pos_emb, seg_pad, ln_w, ln_b)
    return out


def kernel(token_ids, segment_ids, word_emb, seg_emb, pos_emb, ln_weight, ln_bias):
    b, s = token_ids.shape
    e = word_emb.shape[1]
    idx_flat = token_ids.astype(jnp.int32).reshape(b * s)
    gathered = _sc_gather(word_emb, idx_flat)
    seg_ids_col = segment_ids.astype(jnp.int32).reshape(b * s, 1)
    seg_pad = jnp.zeros((8, e), jnp.float32).at[: seg_emb.shape[0]].set(seg_emb)
    pos = pos_emb[:s]
    return _tc_combine(
        gathered,
        seg_ids_col,
        pos,
        seg_pad,
        ln_weight.reshape(1, e),
        ln_bias.reshape(1, e),
        b,
        s,
    )

# --- scband reference (transcript-rebuilt; emitter-appended) ---
"""Pipeline reference for scband-bert-embeddings-62251255988872 (READ-ONLY COPY).

The authoritative reference and input builder live on the scoring server;
editing this copy changes nothing except your own understanding.
"""

import jax, jax.numpy as jnp
import numpy as np

VOCAB = 100000
EMB = 128
MAX_POS = 2048
SEG_VOCAB = 2
B, S = 4, 2048
EPS = 1e-12

def setup_inputs(seed: int = 0) -> dict:
    key = jax.random.key(seed)
    k1, k2, k3, k4, k5 = jax.random.split(key, 5)
    token_ids = jax.random.randint(k1, (B, S), 0, VOCAB, dtype=jnp.int64) if jax.config.jax_enable_x64 else jax.random.randint(k1, (B, S), 0, VOCAB).astype(jnp.int32)
    segment_ids = jax.random.randint(k2, (B, S), 0, SEG_VOCAB).astype(token_ids.dtype)
    word_emb = jax.random.normal(k3, (VOCAB, EMB), dtype=jnp.float32) * 0.02
    word_emb = word_emb.at[0].set(0.0)  # padding_idx=0
    pos_emb = jax.random.normal(k4, (MAX_POS, EMB), dtype=jnp.float32) * 0.02
    seg_emb = jax.random.normal(k5, (SEG_VOCAB, EMB), dtype=jnp.float32) * 0.02
    ln_weight = jnp.ones((EMB,), dtype=jnp.float32)
    ln_bias = jnp.zeros((EMB,), dtype=jnp.float32)
    return {"token_ids": token_ids, "segment_ids": segment_ids, "word_emb": word_emb,
            "seg_emb": seg_emb, "pos_emb": pos_emb, "ln_weight": ln_weight, "ln_bias": ln_bias}

def reference(token_ids, segment_ids, word_emb, seg_emb, pos_emb, ln_weight, ln_bias):
    # word + segment embeddings (gathers)
    words_embeddings = jnp.take(word_emb, token_ids, axis=0)
    segment_embeddings = jnp.take(seg_emb, segment_ids, axis=0)
    embeddings = words_embeddings + segment_embeddings
    # position embeddings: default position_ids = arange(seq_len) broadcast over batch
    seq_length = token_ids.shape[1]
    position_ids = jnp.arange(seq_length)
    position_embeddings = jnp.take(pos_emb, position_ids, axis=0)[None, :, :]
    embeddings = embeddings + position_embeddings
    # LayerNorm (normal mode, eps=1e-12)
    u = embeddings.mean(-1, keepdims=True)
    s = jnp.mean((embeddings - u) ** 2, axis=-1, keepdims=True)
    o = (embeddings - u) / jnp.sqrt(s + EPS)
    out = ln_weight * o + ln_bias
    # dropout_rate=0.0 (eval) -> identity; embedding_size==hidden_size -> no projection
    return out

if __name__ == "__main__":
    import jax
    _d = setup_inputs()
    print(jax.jit(kernel)(*tuple(_d.values())))

</pallas_src>

<mosaic_0001>
#map = affine_map<(d0, d1) -> (0, 0)>
#map1 = affine_map<(d0, d1) -> (0)>
module attributes {stable_mosaic.version = 14 : i64} {
  func.func @gather_kernel(%arg0: i32, %arg1: i32, %arg2: memref<100000x128xf32, #tpu.memory_space<hbm>>, %arg3: memref<8192xi32, #tpu.memory_space<hbm>>, %arg4: memref<8192x128xf32, #tpu.memory_space<hbm>>, %arg5: memref<256xi32, #tpu.memory_space<vmem>>, %arg6: memref<64x128xf32, #tpu.memory_space<vmem>>, %arg7: memref<64x128xf32, #tpu.memory_space<vmem>>, %arg8: memref<64x128xf32, #tpu.memory_space<vmem>>, %arg9: memref<64x128xf32, #tpu.memory_space<vmem>>, %arg10: memref<!tpu.dma_semaphore, #tpu.memory_space<semaphore_mem>>, %arg11: memref<!tpu.dma_semaphore, #tpu.memory_space<semaphore_mem>>, %arg12: memref<!tpu.dma_semaphore, #tpu.memory_space<semaphore_mem>>, %arg13: memref<!tpu.dma_semaphore, #tpu.memory_space<semaphore_mem>>, %arg14: memref<!tpu.dma_semaphore, #tpu.memory_space<semaphore_mem>>) attributes {dimension_semantics = [#tpu.dimension_semantics<core_parallel>, #tpu.dimension_semantics<subcore_parallel>], iteration_bounds = array<i64: 2, 16>, scalar_prefetch = 0 : i64, scratch_operands = 10 : i64, tpu.core_type = #tpu.core_type<sc_vector_subcore>, window_params = [{transform_indices = #map}, {transform_indices = #map1}, {transform_indices = #map}]} {
    %mul3A = arith.constant 2 : i32
    %mul3A_0 = arith.muli %arg1, %mul3A : i32
    %add3A = arith.addi %mul3A_0, %arg0 : i32
    %mul3A_1 = arith.constant 256 : i32
    %mul3A_2 = arith.muli %add3A, %mul3A_1 : i32
    "tpu.region"() ({
      %run_scoped3A = tpu.sem_alloc : memref<!tpu.dma_semaphore, #tpu.memory_space<semaphore_mem>>
      %dma_start3A_81 = tpu.memref_slice %arg3[%mul3A_2] : memref<8192xi32, #tpu.memory_space<hbm>> -> memref<256xi32, #tpu.memory_space<hbm>>
      %dma_start3A_82 = tpu.memref_slice %arg3[%mul3A_2] : memref<8192xi32, #tpu.memory_space<hbm>> -> memref<256xi32, #tpu.memory_space<hbm>>
      tpu.enqueue_dma source(%dma_start3A_82 : memref<256xi32, #tpu.memory_space<hbm>>) target(%arg5 : memref<256xi32, #tpu.memory_space<vmem>>) target_semaphore(%run_scoped3A : memref<!tpu.dma_semaphore, #tpu.memory_space<semaphore_mem>>)
      %dma_wait3A_83 = tpu.memref_slice %arg3[%mul3A_2] : memref<8192xi32, #tpu.memory_space<hbm>> -> memref<256xi32, #tpu.memory_space<hbm>>
      %dma_wait3A_84 = tpu.memref_slice %arg3[%mul3A_2] : memref<8192xi32, #tpu.memory_space<hbm>> -> memref<256xi32, #tpu.memory_space<hbm>>
      tpu.wait_dma2 semaphore(%run_scoped3A : memref<!tpu.dma_semaphore, #tpu.memory_space<semaphore_mem>>) src(%dma_wait3A_84 : memref<256xi32, #tpu.memory_space<hbm>>) dst(%arg5 : memref<256xi32, #tpu.memory_space<vmem>>)
      tpu.yield
    }) : () -> ()
    %dma_start3A = arith.constant 0 : i32
    %dma_start3A_3 = tpu.memref_slice %arg5[%dma_start3A] : memref<256xi32, #tpu.memory_space<vmem>> -> memref<64xi32, #tpu.memory_space<vmem>>
    %dma_start3A_4 = arith.constant 0 : i32
    %dma_start3A_5 = arith.constant 0 : i32
    %dma_start3A_6 = tpu.memref_slice %arg2[%dma_start3A_4, %dma_start3A_5] : memref<100000x128xf32, #tpu.memory_space<hbm>> -> memref<100000x128xf32, #tpu.memory_space<hbm>>
    tpu.enqueue_indirect_dma source(%dma_start3A_6 : memref<100000x128xf32, #tpu.memory_space<hbm>>) target(%arg6 : memref<64x128xf32, #tpu.memory_space<vmem>>) offsets(%dma_start3A_3 : memref<64xi32, #tpu.memory_space<vmem>>) semaphore(%arg10 : memref<!tpu.dma_semaphore, #tpu.memory_space<semaphore_mem>>)
    %dma_start3A_7 = arith.constant 64 : i32
    %dma_start3A_8 = tpu.memref_slice %arg5[%dma_start3A_7] : memref<256xi32, #tpu.memory_space<vmem>> -> memref<64xi32, #tpu.memory_space<vmem>>
    %dma_start3A_9 = arith.constant 0 : i32
    %dma_start3A_10 = arith.constant 0 : i32
    %dma_start3A_11 = tpu.memref_slice %arg2[%dma_start3A_9, %dma_start3A_10] : memref<100000x128xf32, #tpu.memory_space<hbm>> -> memref<100000x128xf32, #tpu.memory_space<hbm>>
    tpu.enqueue_indirect_dma source(%dma_start3A_11 : memref<100000x128xf32, #tpu.memory_space<hbm>>) target(%arg7 : memref<64x128xf32, #tpu.memory_space<vmem>>) offsets(%dma_start3A_8 : memref<64xi32, #tpu.memory_space<vmem>>) semaphore(%arg10 : memref<!tpu.dma_semaphore, #tpu.memory_space<semaphore_mem>>)
    %dma_start3A_12 = arith.constant 128 : i32
    %dma_start3A_13 = tpu.memref_slice %arg5[%dma_start3A_12] : memref<256xi32, #tpu.memory_space<vmem>> -> memref<64xi32, #tpu.memory_space<vmem>>
    %dma_start3A_14 = arith.constant 0 : i32
    %dma_start3A_15 = arith.constant 0 : i32
    %dma_start3A_16 = tpu.memref_slice %arg2[%dma_start3A_14, %dma_start3A_15] : memref<100000x128xf32, #tpu.memory_space<hbm>> -> memref<100000x128xf32, #tpu.memory_space<hbm>>
    tpu.enqueue_indirect_dma source(%dma_start3A_16 : memref<100000x128xf32, #tpu.memory_space<hbm>>) target(%arg8 : memref<64x128xf32, #tpu.memory_space<vmem>>) offsets(%dma_start3A_13 : memref<64xi32, #tpu.memory_space<vmem>>) semaphore(%arg10 : memref<!tpu.dma_semaphore, #tpu.memory_space<semaphore_mem>>)
    %dma_start3A_17 = arith.constant 192 : i32
    %dma_start3A_18 = tpu.memref_slice %arg5[%dma_start3A_17] : memref<256xi32, #tpu.memory_space<vmem>> -> memref<64xi32, #tpu.memory_space<vmem>>
    %dma_start3A_19 = arith.constant 0 : i32
    %dma_start3A_20 = arith.constant 0 : i32
    %dma_start3A_21 = tpu.memref_slice %arg2[%dma_start3A_19, %dma_start3A_20] : memref<100000x128xf32, #tpu.memory_space<hbm>> -> memref<100000x128xf32, #tpu.memory_space<hbm>>
    tpu.enqueue_indirect_dma source(%dma_start3A_21 : memref<100000x128xf32, #tpu.memory_space<hbm>>) target(%arg9 : memref<64x128xf32, #tpu.memory_space<vmem>>) offsets(%dma_start3A_18 : memref<64xi32, #tpu.memory_space<vmem>>) semaphore(%arg10 : memref<!tpu.dma_semaphore, #tpu.memory_space<semaphore_mem>>)
    %dma_wait3A = arith.constant 0 : i32
    %dma_wait3A_22 = tpu.memref_slice %arg5[%dma_wait3A] : memref<256xi32, #tpu.memory_space<vmem>> -> memref<64xi32, #tpu.memory_space<vmem>>
    %dma_wait3A_23 = arith.constant 0 : i32
    %dma_wait3A_24 = arith.constant 0 : i32
    %dma_wait3A_25 = tpu.memref_slice %arg2[%dma_wait3A_23, %dma_wait3A_24] : memref<100000x128xf32, #tpu.memory_space<hbm>> -> memref<100000x128xf32, #tpu.memory_space<hbm>>
    tpu.wait_indirect_dma semaphore(%arg10 : memref<!tpu.dma_semaphore, #tpu.memory_space<semaphore_mem>>) src(%dma_wait3A_25 : memref<100000x128xf32, #tpu.memory_space<hbm>>) dst(%arg6 : memref<64x128xf32, #tpu.memory_space<vmem>>)
    %add3A_26 = arith.constant 0 : i32
    %add3A_27 = arith.addi %mul3A_2, %add3A_26 : i32
    %dma_start3A_28 = arith.constant 0 : i32
    %dma_start3A_29 = tpu.memref_slice %arg4[%add3A_27, %dma_start3A_28] : memref<8192x128xf32, #tpu.memory_space<hbm>> -> memref<64x128xf32, #tpu.memory_space<hbm>>
    %dma_start3A_30 = arith.constant 0 : i32
    %dma_start3A_31 = tpu.memref_slice %arg4[%add3A_27, %dma_start3A_30] : memref<8192x128xf32, #tpu.memory_space<hbm>> -> memref<64x128xf32, #tpu.memory_space<hbm>>
    tpu.enqueue_dma source(%arg6 : memref<64x128xf32, #tpu.memory_space<vmem>>) target(%dma_start3A_31 : memref<64x128xf32, #tpu.memory_space<hbm>>) target_semaphore(%arg11 : memref<!tpu.dma_semaphore, #tpu.memory_space<semaphore_mem>>)
    %dma_wait3A_32 = arith.constant 64 : i32
    %dma_wait3A_33 = tpu.memref_slice %arg5[%dma_wait3A_32] : memref<256xi32, #tpu.memory_space<vmem>> -> memref<64xi32, #tpu.memory_space<vmem>>
    %dma_wait3A_34 = arith.constant 0 : i32
    %dma_wait3A_35 = arith.constant 0 : i32
    %dma_wait3A_36 = tpu.memref_slice %arg2[%dma_wait3A_34, %dma_wait3A_35] : memref<100000x128xf32, #tpu.memory_space<hbm>> -> memref<100000x128xf32, #tpu.memory_space<hbm>>
    tpu.wait_indirect_dma semaphore(%arg10 : memref<!tpu.dma_semaphore, #tpu.memory_space<semaphore_mem>>) src(%dma_wait3A_36 : memref<100000x128xf32, #tpu.memory_space<hbm>>) dst(%arg7 : memref<64x128xf32, #tpu.memory_space<vmem>>)
    %add3A_37 = arith.constant 64 : i32
    %add3A_38 = arith.addi %mul3A_2, %add3A_37 : i32
    %dma_start3A_39 = arith.constant 0 : i32
    %dma_start3A_40 = tpu.memref_slice %arg4[%add3A_38, %dma_start3A_39] : memref<8192x128xf32, #tpu.memory_space<hbm>> -> memref<64x128xf32, #tpu.memory_space<hbm>>
    %dma_start3A_41 = arith.constant 0 : i32
    %dma_start3A_42 = tpu.memref_slice %arg4[%add3A_38, %dma_start3A_41] : memref<8192x128xf32, #tpu.memory_space<hbm>> -> memref<64x128xf32, #tpu.memory_space<hbm>>
    tpu.enqueue_dma source(%arg7 : memref<64x128xf32, #tpu.memory_space<vmem>>) target(%dma_start3A_42 : memref<64x128xf32, #tpu.memory_space<hbm>>) target_semaphore(%arg12 : memref<!tpu.dma_semaphore, #tpu.memory_space<semaphore_mem>>)
    %dma_wait3A_43 = arith.constant 128 : i32
    %dma_wait3A_44 = tpu.memref_slice %arg5[%dma_wait3A_43] : memref<256xi32, #tpu.memory_space<vmem>> -> memref<64xi32, #tpu.memory_space<vmem>>
    %dma_wait3A_45 = arith.constant 0 : i32
    %dma_wait3A_46 = arith.constant 0 : i32
    %dma_wait3A_47 = tpu.memref_slice %arg2[%dma_wait3A_45, %dma_wait3A_46] : memref<100000x128xf32, #tpu.memory_space<hbm>> -> memref<100000x128xf32, #tpu.memory_space<hbm>>
    tpu.wait_indirect_dma semaphore(%arg10 : memref<!tpu.dma_semaphore, #tpu.memory_space<semaphore_mem>>) src(%dma_wait3A_47 : memref<100000x128xf32, #tpu.memory_space<hbm>>) dst(%arg8 : memref<64x128xf32, #tpu.memory_space<vmem>>)
    %add3A_48 = arith.constant 128 : i32
    %add3A_49 = arith.addi %mul3A_2, %add3A_48 : i32
    %dma_start3A_50 = arith.constant 0 : i32
    %dma_start3A_51 = tpu.memref_slice %arg4[%add3A_49, %dma_start3A_50] : memref<8192x128xf32, #tpu.memory_space<hbm>> -> memref<64x128xf32, #tpu.memory_space<hbm>>
    %dma_start3A_52 = arith.constant 0 : i32
    %dma_start3A_53 = tpu.memref_slice %arg4[%add3A_49, %dma_start3A_52] : memref<8192x128xf32, #tpu.memory_space<hbm>> -> memref<64x128xf32, #tpu.memory_space<hbm>>
    tpu.enqueue_dma source(%arg8 : memref<64x128xf32, #tpu.memory_space<vmem>>) target(%dma_start3A_53 : memref<64x128xf32, #tpu.memory_space<hbm>>) target_semaphore(%arg13 : memref<!tpu.dma_semaphore, #tpu.memory_space<semaphore_mem>>)
    %dma_wait3A_54 = arith.constant 192 : i32
    %dma_wait3A_55 = tpu.memref_slice %arg5[%dma_wait3A_54] : memref<256xi32, #tpu.memory_space<vmem>> -> memref<64xi32, #tpu.memory_space<vmem>>
    %dma_wait3A_56 = arith.constant 0 : i32
    %dma_wait3A_57 = arith.constant 0 : i32
    %dma_wait3A_58 = tpu.memref_slice %arg2[%dma_wait3A_56, %dma_wait3A_57] : memref<100000x128xf32, #tpu.memory_space<hbm>> -> memref<100000x128xf32, #tpu.memory_space<hbm>>
    tpu.wait_indirect_dma semaphore(%arg10 : memref<!tpu.dma_semaphore, #tpu.memory_space<semaphore_mem>>) src(%dma_wait3A_58 : memref<100000x128xf32, #tpu.memory_space<hbm>>) dst(%arg9 : memref<64x128xf32, #tpu.memory_space<vmem>>)
    %add3A_59 = arith.constant 192 : i32
    %add3A_60 = arith.addi %mul3A_2, %add3A_59 : i32
    %dma_start3A_61 = arith.constant 0 : i32
    %dma_start3A_62 = tpu.memref_slice %arg4[%add3A_60, %dma_start3A_61] : memref<8192x128xf32, #tpu.memory_space<hbm>> -> memref<64x128xf32, #tpu.memory_space<hbm>>
    %dma_start3A_63 = arith.constant 0 : i32
    %dma_start3A_64 = tpu.memref_slice %arg4[%add3A_60, %dma_start3A_63] : memref<8192x128xf32, #tpu.memory_space<hbm>> -> memref<64x128xf32, #tpu.memory_space<hbm>>
    tpu.enqueue_dma source(%arg9 : memref<64x128xf32, #tpu.memory_space<vmem>>) target(%dma_start3A_64 : memref<64x128xf32, #tpu.memory_space<hbm>>) target_semaphore(%arg14 : memref<!tpu.dma_semaphore, #tpu.memory_space<semaphore_mem>>)
    %dma_wait3A_65 = arith.constant 0 : i32
    %dma_wait3A_66 = tpu.memref_slice %arg4[%add3A_27, %dma_wait3A_65] : memref<8192x128xf32, #tpu.memory_space<hbm>> -> memref<64x128xf32, #tpu.memory_space<hbm>>
    %dma_wait3A_67 = arith.constant 0 : i32
    %dma_wait3A_68 = tpu.memref_slice %arg4[%add3A_27, %dma_wait3A_67] : memref<8192x128xf32, #tpu.memory_space<hbm>> -> memref<64x128xf32, #tpu.memory_space<hbm>>
    tpu.wait_dma2 semaphore(%arg11 : memref<!tpu.dma_semaphore, #tpu.memory_space<semaphore_mem>>) src(%arg6 : memref<64x128xf32, #tpu.memory_space<vmem>>) dst(%dma_wait3A_68 : memref<64x128xf32, #tpu.memory_space<hbm>>)
    %dma_wait3A_69 = arith.constant 0 : i32
    %dma_wait3A_70 = tpu.memref_slice %arg4[%add3A_38, %dma_wait3A_69] : memref<8192x128xf32, #tpu.memory_space<hbm>> -> memref<64x128xf32, #tpu.memory_space<hbm>>
    %dma_wait3A_71 = arith.constant 0 : i32
    %dma_wait3A_72 = tpu.memref_slice %arg4[%add3A_38, %dma_wait3A_71] : memref<8192x128xf32, #tpu.memory_space<hbm>> -> memref<64x128xf32, #tpu.memory_space<hbm>>
    tpu.wait_dma2 semaphore(%arg12 : memref<!tpu.dma_semaphore, #tpu.memory_space<semaphore_mem>>) src(%arg7 : memref<64x128xf32, #tpu.memory_space<vmem>>) dst(%dma_wait3A_72 : memref<64x128xf32, #tpu.memory_space<hbm>>)
    %dma_wait3A_73 = arith.constant 0 : i32
    %dma_wait3A_74 = tpu.memref_slice %arg4[%add3A_49, %dma_wait3A_73] : memref<8192x128xf32, #tpu.memory_space<hbm>> -> memref<64x128xf32, #tpu.memory_space<hbm>>
    %dma_wait3A_75 = arith.constant 0 : i32
    %dma_wait3A_76 = tpu.memref_slice %arg4[%add3A_49, %dma_wait3A_75] : memref<8192x128xf32, #tpu.memory_space<hbm>> -> memref<64x128xf32, #tpu.memory_space<hbm>>
    tpu.wait_dma2 semaphore(%arg13 : memref<!tpu.dma_semaphore, #tpu.memory_space<semaphore_mem>>) src(%arg8 : memref<64x128xf32, #tpu.memory_space<vmem>>) dst(%dma_wait3A_76 : memref<64x128xf32, #tpu.memory_space<hbm>>)
    %dma_wait3A_77 = arith.constant 0 : i32
    %dma_wait3A_78 = tpu.memref_slice %arg4[%add3A_60, %dma_wait3A_77] : memref<8192x128xf32, #tpu.memory_space<hbm>> -> memref<64x128xf32, #tpu.memory_space<hbm>>
    %dma_wait3A_79 = arith.constant 0 : i32
    %dma_wait3A_80 = tpu.memref_slice %arg4[%add3A_60, %dma_wait3A_79] : memref<8192x128xf32, #tpu.memory_space<hbm>> -> memref<64x128xf32, #tpu.memory_space<hbm>>
    tpu.wait_dma2 semaphore(%arg14 : memref<!tpu.dma_semaphore, #tpu.memory_space<semaphore_mem>>) src(%arg9 : memref<64x128xf32, #tpu.memory_space<vmem>>) dst(%dma_wait3A_80 : memref<64x128xf32, #tpu.memory_space<hbm>>)
    return
  }
}

module attributes {stable_mosaic.version = 14 : i64} {
  func.func @body(%arg0: i32, %arg1: i32, %arg2: memref<2048x128xf32, #tpu.memory_space<vmem>>, %arg3: memref<2048x1xi32, #tpu.memory_space<vmem>>, %arg4: memref<2048x128xf32, #tpu.memory_space<vmem>>, %arg5: memref<8x128xf32, #tpu.memory_space<vmem>>, %arg6: memref<1x128xf32, #tpu.memory_space<vmem>>, %arg7: memref<1x128xf32, #tpu.memory_space<vmem>>, %arg8: memref<1x2048x128xf32, #tpu.memory_space<vmem>>) attributes {dimension_semantics = [#tpu.dimension_semantics<parallel>, #tpu.dimension_semantics<parallel>], iteration_bounds = array<i64: 1, 4>, scalar_prefetch = 0 : i64, scratch_operands = 0 : i64, tpu.core_type = #tpu.core_type<tc>, window_params = [{transform_indices = @transform_0, window_bounds = array<i64: 2048, 128>}, {transform_indices = @transform_1, window_bounds = array<i64: 2048, 1>}, {transform_indices = @transform_2, window_bounds = array<i64: 2048, 128>}, {pipeline_mode = #tpu.pipeline_mode<synchronous>, transform_indices = @transform_3, window_bounds = array<i64: 8, 128>}, {pipeline_mode = #tpu.pipeline_mode<synchronous>, transform_indices = @transform_4, window_bounds = array<i64: 1, 128>}, {pipeline_mode = #tpu.pipeline_mode<synchronous>, transform_indices = @transform_5, window_bounds = array<i64: 1, 128>}, {transform_indices = @transform_6, window_bounds = array<i64: 1, 2048, 128>}]} {
    %get3A = arith.constant 0 : index
    %get3A_0 = arith.constant 0 : index
    %get3A_1 = vector.load %arg2[%get3A, %get3A_0] : memref<2048x128xf32, #tpu.memory_space<vmem>>, vector<2048x128xf32>
    %get3A_2 = arith.constant 0 : index
    %get3A_3 = arith.constant 0 : index
    %get3A_4 = vector.load %arg3[%get3A_2, %get3A_3] : memref<2048x1xi32, #tpu.memory_space<vmem>>, vector<2048x1xi32>
    %eq3A = arith.constant 0 : i32
    %eq3A_5 = vector.broadcast %eq3A : i32 to vector<2048x1xi32>
    %eq3A_6 = arith.cmpi eq, %get3A_4, %eq3A_5 : vector<2048x1xi32>
    %get3A_7 = arith.constant 0 : index
    %get3A_8 = arith.constant 0 : index
    %get3A_9 = vector.load %arg5[%get3A_7, %get3A_8] : memref<8x128xf32, #tpu.memory_space<vmem>>, vector<1x128xf32>
    %get3A_10 = arith.constant 1 : index
    %get3A_11 = arith.constant 0 : index
    %get3A_12 = vector.load %arg5[%get3A_10, %get3A_11] : memref<8x128xf32, #tpu.memory_space<vmem>>, vector<1x128xf32>
    %broadcast_in_dim3A = vector.shape_cast %eq3A_6 : vector<2048x1xi1> to vector<2048x1xi1>
    %broadcast_in_dim3A_13 = vector.broadcast %broadcast_in_dim3A : vector<2048x1xi1> to vector<2048x128xi1>
    %broadcast_in_dim3A_14 = vector.shape_cast %get3A_9 : vector<1x128xf32> to vector<1x128xf32>
    %broadcast_in_dim3A_15 = vector.broadcast %broadcast_in_dim3A_14 : vector<1x128xf32> to vector<2048x128xf32>
    %broadcast_in_dim3A_16 = vector.shape_cast %get3A_12 : vector<1x128xf32> to vector<1x128xf32>
    %broadcast_in_dim3A_17 = vector.broadcast %broadcast_in_dim3A_16 : vector<1x128xf32> to vector<2048x128xf32>
    %select_n3A = arith.select %broadcast_in_dim3A_13, %broadcast_in_dim3A_15, %broadcast_in_dim3A_17 : vector<2048x128xi1>, vector<2048x128xf32>
    %add3A = arith.addf %get3A_1, %select_n3A : vector<2048x128xf32>
    %get3A_18 = arith.constant 0 : index
    %get3A_19 = arith.constant 0 : index
    %get3A_20 = vector.load %arg4[%get3A_18, %get3A_19] : memref<2048x128xf32, #tpu.memory_space<vmem>>, vector<2048x128xf32>
    %add3A_21 = arith.addf %add3A, %get3A_20 : vector<2048x128xf32>
    %reduce_sum3A = arith.constant dense<0.000000e+00> : vector<2048xf32>
    %reduce_sum3A_22 = vector.multi_reduction <add>, %add3A_21, %reduce_sum3A [1] : vector<2048x128xf32> to vector<2048xf32>
    %broadcast_in_dim3A_23 = vector.shape_cast %reduce_sum3A_22 : vector<2048xf32> to vector<2048x1xf32>
    %div3A = arith.constant 1.280000e+02 : f32
    %div3A_24 = vector.broadcast %div3A : f32 to vector<2048x1xf32>
    %div3A_25 = arith.divf %broadcast_in_dim3A_23, %div3A_24 : vector<2048x1xf32>
    %mul3A = arith.mulf %add3A_21, %add3A_21 : vector<2048x128xf32>
    %reduce_sum3A_26 = arith.constant dense<0.000000e+00> : vector<2048xf32>
    %reduce_sum3A_27 = vector.multi_reduction <add>, %mul3A, %reduce_sum3A_26 [1] : vector<2048x128xf32> to vector<2048xf32>
    %broadcast_in_dim3A_28 = vector.shape_cast %reduce_sum3A_27 : vector<2048xf32> to vector<2048x1xf32>
    %div3A_29 = arith.constant 1.280000e+02 : f32
    %div3A_30 = vector.broadcast %div3A_29 : f32 to vector<2048x1xf32>
    %div3A_31 = arith.divf %broadcast_in_dim3A_28, %div3A_30 : vector<2048x1xf32>
    %mul3A_32 = arith.mulf %div3A_25, %div3A_25 : vector<2048x1xf32>
    %sub3A = arith.subf %div3A_31, %mul3A_32 : vector<2048x1xf32>
    %sub3A_33 = vector.broadcast %div3A_25 : vector<2048x1xf32> to vector<2048x128xf32>
    %sub3A_34 = arith.subf %add3A_21, %sub3A_33 : vector<2048x128xf32>
    %add3A_35 = arith.constant 9.99999996E-13 : f32
    %add3A_36 = vector.broadcast %add3A_35 : f32 to vector<2048x1xf32>
    %add3A_37 = arith.addf %sub3A, %add3A_36 : vector<2048x1xf32>
    %rsqrt3A = math.rsqrt %add3A_37 : vector<2048x1xf32>
    %mul3A_38 = vector.broadcast %rsqrt3A : vector<2048x1xf32> to vector<2048x128xf32>
    %mul3A_39 = arith.mulf %sub3A_34, %mul3A_38 : vector<2048x128xf32>
    %get3A_40 = arith.constant 0 : index
    %get3A_41 = arith.constant 0 : index
    %get3A_42 = vector.load %arg6[%get3A_40, %get3A_41] : memref<1x128xf32, #tpu.memory_space<vmem>>, vector<1x128xf32>
    %mul3A_43 = vector.broadcast %get3A_42 : vector<1x128xf32> to vector<2048x128xf32>
    %mul3A_44 = arith.mulf %mul3A_39, %mul3A_43 : vector<2048x128xf32>
    %get3A_45 = arith.constant 0 : index
    %get3A_46 = arith.constant 0 : index
    %get3A_47 = vector.load %arg7[%get3A_45, %get3A_46] : memref<1x128xf32, #tpu.memory_space<vmem>>, vector<1x128xf32>
    %add3A_48 = vector.broadcast %get3A_47 : vector<1x128xf32> to vector<2048x128xf32>
    %add3A_49 = arith.addf %mul3A_44, %add3A_48 : vector<2048x128xf32>
    %swap3A = arith.constant 0 : index
    %swap3A_50 = arith.constant 0 : index
    %swap3A_51 = arith.constant 0 : index
    %swap3A_52 = vector.load %arg8[%swap3A, %swap3A_50, %swap3A_51] : memref<1x2048x128xf32, #tpu.memory_space<vmem>>, vector<1x2048x128xf32>
    %swap3A_53 = vector.shape_cast %swap3A_52 : vector<1x2048x128xf32> to vector<2048x128xf32>
    %swap3A_54 = vector.shape_cast %add3A_49 : vector<2048x128xf32> to vector<1x2048x128xf32>
    tpu.vector_store %arg8[%swap3A, %swap3A_50, %swap3A_51], %swap3A_54 {strides = array<i32>} : memref<1x2048x128xf32, #tpu.memory_space<vmem>>, vector<1x2048x128xf32>,
    return
  }
  func.func @transform_0(%arg0: i32, %arg1: i32) -> (i32, i32) {
    %mul3A = arith.constant 1 : i32
    %mul3A_0 = arith.muli %arg1, %mul3A : i32
    %add3A = arith.addi %mul3A_0, %arg0 : i32
    %c0_i32 = arith.constant 0 : i32
    %c0_i32_1 = arith.constant 0 : i32
    return %add3A, %c0_i32 : i32, i32
  }
  func.func @transform_1(%arg0: i32, %arg1: i32) -> (i32, i32) {
    %mul3A = arith.constant 1 : i32
    %mul3A_0 = arith.muli %arg1, %mul3A : i32
    %add3A = arith.addi %mul3A_0, %arg0 : i32
    %c0_i32 = arith.constant 0 : i32
    %c0_i32_1 = arith.constant 0 : i32
    return %add3A, %c0_i32 : i32, i32
  }
  func.func @transform_2(%arg0: i32, %arg1: i32) -> (i32, i32) {
    %c0_i32 = arith.constant 0 : i32
    %c0_i32_0 = arith.constant 0 : i32
    return %arg0, %c0_i32 : i32, i32
  }
  func.func @transform_3(%arg0: i32, %arg1: i32) -> (i32, i32) {
    %c0_i32 = arith.constant 0 : i32
    %c0_i32_0 = arith.constant 0 : i32
    %c0_i32_1 = arith.constant 0 : i32
    return %c0_i32, %c0_i32_0 : i32, i32
  }
  func.func @transform_4(%arg0: i32, %arg1: i32) -> (i32, i32) {
    %c0_i32 = arith.constant 0 : i32
    %c0_i32_0 = arith.constant 0 : i32
    %c0_i32_1 = arith.constant 0 : i32
    return %c0_i32, %c0_i32_0 : i32, i32
  }
  func.func @transform_5(%arg0: i32, %arg1: i32) -> (i32, i32) {
    %c0_i32 = arith.constant 0 : i32
    %c0_i32_0 = arith.constant 0 : i32
    %c0_i32_1 = arith.constant 0 : i32
    return %c0_i32, %c0_i32_0 : i32, i32
  }
  func.func @transform_6(%arg0: i32, %arg1: i32) -> (i32, i32, i32) {
    %c0_i32 = arith.constant 0 : i32
    %c0_i32_0 = arith.constant 0 : i32
    return %arg1, %arg0, %c0_i32 : i32, i32, i32
  }
}

</mosaic_0001>

<sc_bundles>
// kernel: kernel.4.cloned.1.call-start
scs
__scs_entry_jumppad:
0x0: {  	(pc) =	sbr.rel $0x88, $3  }
0x1: {  	(tag) =	ssettag $0x0;
	lr =	simm.s32 $0x1  }
0x2: {  	[smem:$0x3F9A] =	sst lr;
	_ =	strace $0xD0000000  }
0x3: {  	_ = 	snop  }
0x4: {  	_ = 	snop  }
0x5: {  	_ = 	snop  }
0x6: {  	_ = 	snop  }
0x7: {  	_ = 	snop  }
__scs_overlays_trampoline_lowered:
0x8: {  	[smem:$0x3FA9] =	sst s0  }
0x9: {  	[smem:$0x3FAA] =	sst s1  }
0xa: {  	[smem:$0x3FAB] =	sst s2  }
0xb: {  	[smem:$0x3FAC] =	sst s3  }
0xc: {  	[smem:$0x3FAD] =	sst s4  }
0xd: {  	[smem:$0x3FAE] =	sst s5  }
0xe: {  	[smem:$0x3FAF] =	sst s6  }
0xf: {  	[smem:$0x3FB0] =	sst s7  }
0x10: {  	[smem:$0x3FB1] =	sst s8  }
0x11: {  	[smem:$0x3FB2] =	sst s9;
	s0 =	simm.s32 @!p0 $0x0  }
0x12: {  	s1 =	sld [smem:$0x3F98];
	s0 =	simm.s32 @p0 $0x1  }
0x13: {  	[smem:$0x3FB3] =	sst s0;
	s0 =	simm.s32 @!p1 $0x0  }
0x14: {  	s2 =	sld [smem:$0x3F97];
	s0 =	simm.s32 @p1 $0x1  }
0x15: {  	[smem:$0x3FB4] =	sst s0;
	s0 =	simm.s32 @!p2 $0x0  }
0x16: {  	s3 =	sld [smem:$0x3FDB];
	s0 =	simm.s32 @p2 $0x1  }
0x17: {  	s4 =	simm.s32 $0x1BF5;
	[smem:$0x3FB6] =	sst s0  }
0x18: {  	s0 =	sld [smem:$0x3F99];
	_ =	swait.ge [sflag:s4], $0x0  }
0x19: {  	s7 =	sld [smem:$0x3F9A]  }
0x1a: {  	s8 =	sadd.s32 $0xFFFFE003, lr  }
0x1b: {  	s9 =	sadd.s32 $0xFFFFFEF7, lr;
	s5 =	simm.s32 $0xFFFFFFFF;
	p2 =	slt.u32 s8, $0xFFFFF086  }
0x1c: {  	p1 =	slt.u32 s9, $0xF7A;
	s5 =	simm.s32 @!p2 $0x0  }
0x1d: {  	s5 =	simm.s32 @p1 $0x1;
	p0 =	seq.s32 s7, s2  }
0x1e: {  	s7 =	smul.u32 @!p0 $0xF7A, s2;
	p2 =	seq.s32 @!p0 s5, $0x0  }
0x1f: {  	s9 =	smul.u32 $0xF7A, s1;
	s8 =	simm.s32 @!p0 $0x1BF5;
	p2 =	por !p2, p0  }
0x20: {  	[sflag:s8] =	ssyncset.s32 @!p0 $0xFFFFF086;
	s6 =	sadd.s32 @!p0 s3, s7;
	s7 =	simm.s32 @!p0 $0x108  }
0x21: {  	s3 =	sadd.s32 s3, s9;
	s6 =	sadd.s32 @!p0 $0x88, s6;
	s7 =	simm.s32 @p2 $0x1082  }
0x22: {  	[simem:s7], [sflag:s8] =	dma.local @!p0 [hbm:s6], $0xF7A  }
0x23: {  	s9 =	sor.u32 $0xD0000000, s2;
	s6 =	simm.s32 $0x108;
	_ =	swait.ge @!p0 [sflag:s8], $0x0  }
0x24: {  	s3 =	sadd.s32 $0x88, s3;
	s6 =	simm.s32 @!p1 $0x1082;
	[sflag:s4] =	ssyncset.s32 $0xFFFFF086  }
0x25: {  	[simem:s6], [sflag:s4] =	dma.local [hbm:s3], $0xF7A  }
0x26: {  	[smem:$0x3F9A] =	sst s1;
	(tag) =	ssettag s2;
	_ =	strace s9  }
0x27: {  	s1 =	sld [smem:$0x3FAA]  }
0x28: {  	s2 =	sld [smem:$0x3FAB]  }
0x29: {  	s4 =	sld [smem:$0x3FAD]  }
0x2a: {  	p0 =	seq.s32 s5, $0x0;
	s5 =	sld [smem:$0x3FAE]  }
0x2b: {  	s6 =	sld [smem:$0x3FAF]  }
0x2c: {  	s7 =	sld [smem:$0x3FB0]  }
0x2d: {  	s3 =	simm.s32 $0x108;
	s8 =	sld [smem:$0x3FB1]  }
0x2e: {  	s3 =	simm.s32 @!p0 $0x1082;
	s9 =	sld [smem:$0x3FB2]  }
0x2f: {  	lr =	sadd.s32 s0, s3;
	s0 =	sld [smem:$0x3FA9]  }
0x30: {  	s3 =	sld [smem:$0x3FAC]  }
0x31: {  	[smem:$0x3FB5] =	sst s10  }
0x32: {  	s10 =	sld [smem:$0x3FB3];
	_ =	sdelay $0x3  }
0x33: {  	p0 =	seq.s32 s10, $0x1;
	s10 =	sld [smem:$0x3FB5];
	_ =	sdelay $0x3  }
0x34: {  	[smem:$0x3FB5] =	sst s10  }
0x35: {  	s10 =	sld [smem:$0x3FB4];
	_ =	sdelay $0x3  }
0x36: {  	p1 =	seq.s32 s10, $0x1;
	s10 =	sld [smem:$0x3FB5];
	_ =	sdelay $0x3  }
0x37: {  	[smem:$0x3FB5] =	sst s10  }
0x38: {  	s10 =	sld [smem:$0x3FB6]  }
0x39: {  	_ = 	snop;
	(pc) =	sbr.ind lr, $3  }
0x3a: {  	_ = 	snop  }
0x3b: {  	_ = 	snop  }
0x3c: {  	p2 =	seq.s32 s10, $0x1;
	s10 =	sld [smem:$0x3FB5]  }
0x3d: {  	_ =	shalt  }
0x3e: {  	_ =	shalt  }
0x3f: {  	_ =	shalt  }
0x40: {  	_ =	shalt  }
0x41: {  	_ =	shalt  }
0x42: {  	_ =	shalt  }
0x43: {  	_ =	shalt  }
0x44: {  	_ =	shalt  }
0x45: {  	_ =	shalt  }
0x46: {  	_ =	shalt  }
0x47: {  	_ =	shalt  }
0x48: {  	_ =	shalt  }
0x49: {  	_ =	shalt  }
0x4a: {  	_ =	shalt  }
0x4b: {  	_ =	shalt  }
0x4c: {  	_ =	shalt  }
0x4d: {  	_ =	shalt  }
0x4e: {  	_ =	shalt  }
0x4f: {  	_ =	shalt  }
0x50: {  	_ =	shalt  }
0x51: {  	_ =	shalt  }
0x52: {  	_ =	shalt  }
0x53: {  	_ =	shalt  }
0x54: {  	_ =	shalt  }
0x55: {  	_ =	shalt  }
0x56: {  	_ =	shalt  }
0x57: {  	_ =	shalt  }
0x58: {  	_ =	shalt  }
0x59: {  	_ =	shalt  }
0x5a: {  	_ =	shalt  }
0x5b: {  	_ =	shalt  }
0x5c: {  	_ =	shalt  }
0x5d: {  	_ =	shalt  }
0x5e: {  	_ =	shalt  }
0x5f: {  	_ =	shalt  }
0x60: {  	_ =	shalt  }
0x61: {  	_ =	shalt  }
0x62: {  	_ =	shalt  }
0x63: {  	_ =	shalt  }
0x64: {  	_ =	shalt  }
0x65: {  	_ =	shalt  }
0x66: {  	_ =	shalt  }
0x67: {  	_ =	shalt  }
0x68: {  	_ =	shalt  }
0x69: {  	_ =	shalt  }
0x6a: {  	_ =	shalt  }
0x6b: {  	_ =	shalt  }
0x6c: {  	_ =	shalt  }
0x6d: {  	_ =	shalt  }
0x6e: {  	_ =	shalt  }
0x6f: {  	_ =	shalt  }
0x70: {  	_ =	shalt  }
0x71: {  	_ =	shalt  }
0x72: {  	_ =	shalt  }
0x73: {  	_ =	shalt  }
0x74: {  	_ =	shalt  }
0x75: {  	_ =	shalt  }
0x76: {  	_ =	shalt  }
0x77: {  	_ =	shalt  }
0x78: {  	_ =	shalt  }
0x79: {  	_ =	shalt  }
0x7a: {  	_ =	shalt  }
0x7b: {  	_ =	shalt  }
0x7c: {  	_ =	shalt  }
0x7d: {  	_ =	shalt  }
0x7e: {  	_ =	shalt  }
0x7f: {  	_ =	shalt  }
0x80: {  	_ =	shalt  }
0x81: {  	_ =	shalt  }
0x82: {  	_ =	shalt  }
0x83: {  	_ =	shalt  }
0x84: {  	_ =	shalt  }
0x85: {  	_ =	shalt  }
0x86: {  	_ =	shalt  }
0x87: {  	_ =	shalt  }
.Lfunc_end0:
.L_simem_size_0:
called_computation_lowered:
.L_overlay_start_0:
0x88: {  	s2 =	sld [smem:$0x3FD9]  }
0x89: {  	s3 =	sld [smem:$0x3FFE];
	_ =	sdelay $0x1  }
0x8a: {  	s1 =	srdreg.scid  }
0x8b: {  	s0 =	sand.u32 $0x1, s1  }
0x8c: {  	s17 =	sshll.u32 s0, $0xA;
	s2 =	sadd.s32 s3, s2  }
0x8d: {  	s2 =	sadd.s32 s2, s17  }
0x8e: {  	[smem:$0x3FC1] =	sst s2  }
0x8f: {  	_ = 	snop  }
0x90: {  	s2 =	sld [smem:$0x3FC7]  }
0x91: {  	s18 =	sld [smem:$0x3FD0];
	(tm) =	ssettm $0x1  }
0x92: {  	s4 =	sld [smem:$0x3FFB];
	_ =	sdelay $0x3  }
0x93: {  	_ =	strace s4  }
0x94: {  	s4 =	sld [smem:$0x3FFC];
	_ =	sdelay $0x3  }
0x95: {  	_ =	strace s4  }
0x96: {  	s4 =	sld [smem:$0x3FFD];
	_ =	sdelay $0x3  }
0x97: {  	_ =	strace s4  }
0x98: {  	_ =	strace $0x8FFFFFFF  }
0x99: {  	s19 =	sld [smem:$0x3FDB];
	_ =	sdelay $0x1  }
0x9a: {  	s5 =	simm.s32 $_scs_section_size  }
0x9b: {  	s6 =	simm.s32 $_size__tile_overlayer_lowered;
	s7 =	simm.s32 $_tile_overlayer_lowered  }
0x9c: {  	s22 =	simm.s32 $0x1BFF;
	s21 =	sshll.u32 s7, $0x1;
	s4 =	sadd.s32 s5, s19  }
0x9d: {  	s8 =	simm.s32 $0x0;
	s20 =	sshll.u32 s6, $0x1;
	s6 =	sadd.s32 s21, s4  }
0x9e: {  	[timem:s8], [sflag:s22] =	dma.local [hbm:s6], s20  }
0x9f: {  	_ =	swait.ge [sflag:s22], s20  }
0xa0: {  	s5 =	ssub.s32 $0x0, s20;
	[sflag:s22] =	ssyncset.done $0x0  }
0xa1: {  	[sflag:s22] =	ssyncadd.s32 s5;
	_ =	sdelay $0x1  }
0xa2: {  	s23 =	simm.s32 $0x1B8B  }
0xa3: {  	_ =	swait.ge [sflag:s23], $0x1  }
0xa4: {  	[sflag:s23] =	ssyncset.done $0x0  }
0xa5: {  	s25 =	simm.s32 $0x1B8E;
	s24 =	sld [smem:$0x3FFE];
	[sflag:s23] =	ssyncadd.s32 $0xFFFFFFFF  }
0xa6: {  	s26 =	simm.s32 $execute0_lowered;
	[smem:$0x3FD2] =	sst s25  }
0xa7: {  	s6 =	sshll.u32 s26, $0x1;
	_ =	strace $0x80000046;
	[dreg:$0x1] =	wrdreg $0xFFFFFFFF  }
0xa8: {  	s28 =	simm.s32 $_size_execute0_lowered;
	s4 =	sadd.s32 s4, s6;
	[dreg:$0x0] =	wrdreg $0x0  }
0xa9: {  	s6 =	sshll.u32 s28, $0x1;
	[dreg:$0x2] =	wrdreg s4  }
0xaa: {  	[dreg:$0x3] =	wrdreg s6  }
0xab: {  	[dreg:$0x4] =	wrdreg $0xC0  }
0xac: {  	_ =	task [dreg:s8], $0x5FFFF  }
0xad: {  	[dreg:$0x1] =	wrdreg $0xFFFFFFFF  }
0xae: {  	[dreg:$0x0] =	wrdreg $0x60  }
0xaf: {  	[dreg:$0x2] =	wrdreg s2  }
0xb0: {  	[dreg:$0x3] =	wrdreg s24  }
0xb1: {  	[dreg:$0x4] =	wrdreg s18  }
0xb2: {  	[dreg:$0x5] =	wrdreg $0x9  }
0xb3: {  	_ =	task.clear_ibuf [dreg:s8], $0x6FFFF;
	_ =	strace $0x90000046  }
0xb4: {  	s29 =	simm.s32 $0x9;
	_ =	strace $0x80000048  }
0xb5: {  	_ =	swait.ge [sflag:s29], $0x1  }
0xb6: {  	[sflag:s29] =	ssyncadd.s32 $0xFFFFFFFF  }
0xb7: {  	_ =	strace $0x90000048  }
0xb8: {  	_ =	sfence  }
0xb9: {  	s30 =	sld [smem:$0x0];
	_ =	sdelay $0x2  }
0xba: {  	s31 =	sshll.u32 s1, $0xD;
	s1 =	sshrl.u32 s1, $0x2  }
0xbb: {  	s3 =	sand.u32 $0x4000, s31;
	s1 =	sadd.s32 s1, s30  }
0xbc: {  	s0 =	sor.u32 s3, s0;
	s1 =	sshll.u32 s1, $0x11  }
0xbd: {  	s0 =	sor.u32 s1, s0  }
0xbe: {  	s0 =	sadd.s32 $0x8F2B, s0  }
0xbf: {  	[sflag:s0] =	ssyncadd.remote.s32 $0x1  }
0xc0: {  	_ =	sfence.sel $0xFFFF  }
0xc1: {  	[dreg:$0x0] =	wrdreg $0xFFFFFFFF;
	(pc) =	sbr.abs _section_cstart, $3  }
0xc2: {  	[dreg:$0x1] =	wrdreg $0xFFFFFFFF  }
0xc3: {  	_ =	task.clear_ibuf [dreg:s8], $0x2FFFF;
	_ =	strace $0x9FFFFFFF  }
0xc4: {  	(tm) =	ssettm $0x7FFFFFFF  }
0xc5: {  	_ =	shalt  }
tec
execute0_lowered:
.L_overlay_start_1:
0x0: {  	(tag) =	ssettag $0x1  }
0x1: {  	s2 =	srdreg.scid  }
0x2: {  	s1 =	rddreg [dreg:$0x0];
	s0 =	stileid.u32;
	s20 =	sand.u32 $0x1, s2  }
0x3: {  	s4 =	rddreg [dreg:$0x1];
	s31 =	sshll.u32 s0, $0x9;
	s3 =	sshll.u32 s20, $0x8  }
0x4: {  	s14 =	rddreg [dreg:$0x2];
	s15 =	sor.u32 s3, s31  }
0x5: {  	s2 =	rddreg [dreg:$0x3];
	s3 =	simm.s32 $0x0;
	s5 =	sshrl.u32 s15, $0x3  }
0x6: {  	[smem:$0x7FF] =	sst s3;
	s4 =	sadd.s32 s5, s4  }
0x7: {  	_ =	strace $0x80000047;
	s5 =	simm.s32 $0x6;
	s4 =	sadd.s32 $0x1000, s4  }
0x8: {  	[tilespmem:s3], [sflag:$0x6] =	stream.linear.gather [hbm4b:s4+s3], $0x100, $0x38;
	[tilespmem:$0x8100] =	vst v63  }
0x9: {  	_ =	swait.ge [sflag:s5], $0x100  }
0xa: {  	[sflag:s5] =	ssyncset.done $0x0  }
0xb: {  	s6 =	simm.s32 $0x40;
	s7 =	simm.s32 $0x100;
	[sflag:s5] =	ssyncadd.s32 $0xFFFFFF00  }
0xc: {  	[tilespmem:s7], [sflag:$0x1] =	stream.indirect.gather [hbm4b:s1+s6], $0x80, s3, s6, $0xb8;
	[tilespmem:$0x8100] =	vst v63  }
0xd: {  	s8 =	simm.s32 $0x2100  }
0xe: {  	[tilespmem:s8], [sflag:$0x1] =	stream.indirect.gather [hbm4b:s1+s6], $0x80, s6, s6, $0xb8;
	[tilespmem:$0x8100] =	vst v63  }
0xf: {  	s9 =	simm.s32 $0x80;
	s10 =	simm.s32 $0x4100  }
0x10: {  	[tilespmem:s10], [sflag:$0x1] =	stream.indirect.gather [hbm4b:s1+s6], $0x80, s9, s6, $0xb8;
	[tilespmem:$0x8100] =	vst v63  }
0x11: {  	s11 =	simm.s32 $0xC0;
	s12 =	simm.s32 $0x6100;
	s13 =	simm.s32 $0x1  }
0x12: {  	[tilespmem:s12], [sflag:$0x1] =	stream.indirect.gather [hbm4b:s1+s6], $0x80, s11, s6, $0xb8;
	[tilespmem:$0x8100] =	vst v63  }
0x13: {  	_ =	swait.ge [sflag:s13], $0x2000  }
0x14: {  	s15 =	sshll.u32 s15, $0x4;
	[sflag:s13] =	ssyncset.done $0x0  }
0x15: {  	s14 =	sadd.s32 s14, s15;
	[sflag:s13] =	ssyncadd.s32 $0xFFFFE000  }
0x16: {  	[hbm4b:s14+s3] =	stream.linear.scatter [tilespmem:s7], [sflag:$0x2], $0x2000, $0x38;
	[tilespmem:$0x8100] =	vst v63  }
0x17: {  	_ =	swait.ge [sflag:s13], $0x2000  }
0x18: {  	[sflag:s13] =	ssyncset.done $0x0  }
0x19: {  	s15 =	sadd.s32 $0x400, s14;
	[sflag:s13] =	ssyncadd.s32 $0xFFFFE000  }
0x1a: {  	[hbm4b:s15+s3] =	stream.linear.scatter [tilespmem:s8], [sflag:$0x3], $0x2000, $0x38;
	[tilespmem:$0x8100] =	vst v63  }
0x1b: {  	_ =	swait.ge [sflag:s13], $0x2000  }
0x1c: {  	[sflag:s13] =	ssyncset.done $0x0  }
0x1d: {  	s16 =	sadd.s32 $0x800, s14;
	[sflag:s13] =	ssyncadd.s32 $0xFFFFE000  }
0x1e: {  	[hbm4b:s16+s3] =	stream.linear.scatter [tilespmem:s10], [sflag:$0x4], $0x2000, $0x38;
	[tilespmem:$0x8100] =	vst v63  }
0x1f: {  	_ =	swait.ge [sflag:s13], $0x2000  }
0x20: {  	[sflag:s13] =	ssyncset.done $0x0  }
0x21: {  	s18 =	simm.s32 $0x2;
	s17 =	sadd.s32 $0xC00, s14;
	[sflag:s13] =	ssyncadd.s32 $0xFFFFE000  }
0x22: {  	[hbm4b:s17+s3] =	stream.linear.scatter [tilespmem:s12], [sflag:$0x5], $0x2000, $0x38;
	[tilespmem:$0x8100] =	vst v63  }
0x23: {  	_ =	swait.ge [sflag:s18], $0x2000  }
0x24: {  	s21 =	ssub.s32 $0x2, s20;
	[sflag:s18] =	ssyncset.done $0x0  }
0x25: {  	s19 =	simm.s32 $0x3;
	s22 =	sshrl.u32 s21, $0x1;
	[sflag:s18] =	ssyncadd.s32 $0xFFFFE000  }
0x26: {  	s21 =	ssub.s32 s21, s22;
	_ =	swait.ge [sflag:s19], $0x2000  }
0x27: {  	s22 =	smax.u32 s21, $0x1;
	[sflag:s19] =	ssyncset.done $0x0  }
0x28: {  	s20 =	simm.s32 $0x4;
	p0 =	sne.s32 s22, $0x1;
	[sflag:s19] =	ssyncadd.s32 $0xFFFFE000  }
.Ltmp0:
0x29: {  	_ =	swait.ge [sflag:s20], $0x2000;
	(pc) =	sbr.rel @!p0 .LBB2_2-.Ltmp0, $4  }
0x2a: {  	[sflag:s20] =	ssyncset.done $0x0  }
0x2b: {  	s21 =	simm.s32 $0x5;
	[sflag:s20] =	ssyncadd.s32 $0xFFFFE000  }
0x2c: {  	_ =	swait.ge [sflag:s21], $0x2000  }
0x2d: {  	s22 =	sadd.s32 $0xFFFFFFFF, s22;
	[sflag:s21] =	ssyncset.done $0x0  }
.LBB2_1:
0x2e: {  	p0 =	sne.s32 s22, $0x1;
	s22 =	sadd.s32 $0xFFFFFFFF, s22;
	[sflag:s21] =	ssyncadd.s32 $0xFFFFE000  }
0x2f: {  	[tilespmem:s3], [sflag:$0x6] =	stream.linear.gather [hbm4b:s4+s3], $0x100, $0x38;
	[tilespmem:$0x8100] =	vst v63  }
0x30: {  	_ =	swait.ge [sflag:s5], $0x100  }
0x31: {  	[sflag:s5] =	ssyncset.done $0x0  }
0x32: {  	[sflag:s5] =	ssyncadd.s32 $0xFFFFFF00  }
0x33: {  	[tilespmem:s7], [sflag:$0x1] =	stream.indirect.gather [hbm4b:s1+s6], $0x80, s3, s6, $0xb8;
	[tilespmem:$0x8100] =	vst v63  }
0x34: {  	_ = 	snop  }
0x35: {  	[tilespmem:s8], [sflag:$0x1] =	stream.indirect.gather [hbm4b:s1+s6], $0x80, s6, s6, $0xb8;
	[tilespmem:$0x8100] =	vst v63  }
0x36: {  	_ = 	snop  }
0x37: {  	[tilespmem:s10], [sflag:$0x1] =	stream.indirect.gather [hbm4b:s1+s6], $0x80, s9, s6, $0xb8;
	[tilespmem:$0x8100] =	vst v63  }
0x38: {  	_ = 	snop  }
0x39: {  	[tilespmem:s12], [sflag:$0x1] =	stream.indirect.gather [hbm4b:s1+s6], $0x80, s11, s6, $0xb8;
	[tilespmem:$0x8100] =	vst v63  }
0x3a: {  	_ =	swait.ge [sflag:s13], $0x2000  }
0x3b: {  	[sflag:s13] =	ssyncset.done $0x0  }
0x3c: {  	[sflag:s13] =	ssyncadd.s32 $0xFFFFE000  }
0x3d: {  	[hbm4b:s14+s3] =	stream.linear.scatter [tilespmem:s7], [sflag:$0x2], $0x2000, $0x38;
	[tilespmem:$0x8100] =	vst v63  }
0x3e: {  	_ =	swait.ge [sflag:s13], $0x2000  }
0x3f: {  	[sflag:s13] =	ssyncset.done $0x0  }
0x40: {  	[sflag:s13] =	ssyncadd.s32 $0xFFFFE000  }
0x41: {  	[hbm4b:s15+s3] =	stream.linear.scatter [tilespmem:s8], [sflag:$0x3], $0x2000, $0x38;
	[tilespmem:$0x8100] =	vst v63  }
0x42: {  	_ =	swait.ge [sflag:s13], $0x2000  }
0x43: {  	[sflag:s13] =	ssyncset.done $0x0  }
0x44: {  	[sflag:s13] =	ssyncadd.s32 $0xFFFFE000  }
0x45: {  	[hbm4b:s16+s3] =	stream.linear.scatter [tilespmem:s10], [sflag:$0x4], $0x2000, $0x38;
	[tilespmem:$0x8100] =	vst v63  }
0x46: {  	_ =	swait.ge [sflag:s13], $0x2000  }
0x47: {  	[sflag:s13] =	ssyncset.done $0x0  }
0x48: {  	[sflag:s13] =	ssyncadd.s32 $0xFFFFE000  }
0x49: {  	[hbm4b:s17+s3] =	stream.linear.scatter [tilespmem:s12], [sflag:$0x5], $0x2000, $0x38;
	[tilespmem:$0x8100] =	vst v63  }
0x4a: {  	_ =	swait.ge [sflag:s18], $0x2000  }
0x4b: {  	[sflag:s18] =	ssyncset.done $0x0  }
0x4c: {  	[sflag:s18] =	ssyncadd.s32 $0xFFFFE000  }
0x4d: {  	_ =	swait.ge [sflag:s19], $0x2000  }
0x4e: {  	[sflag:s19] =	ssyncset.done $0x0  }
0x4f: {  	[sflag:s19] =	ssyncadd.s32 $0xFFFFE000  }
.Ltmp1:
0x50: {  	_ =	swait.ge [sflag:s20], $0x2000;
	(pc) =	sbr.rel @p0 .LBB2_1-.Ltmp1, $4  }
0x51: {  	[sflag:s20] =	ssyncset.done $0x0  }
0x52: {  	[sflag:s20] =	ssyncadd.s32 $0xFFFFE000  }
0x53: {  	_ =	swait.ge [sflag:s21], $0x2000  }
0x54: {  	[sflag:s21] =	ssyncset.done $0x0  }
.LBB2_2:
0x55: {  	[sflag:s21] =	ssyncadd.s32 $0xFFFFE000  }
0x56: {  	_ =	sfence.sel $0x180000  }
0x57: {  	[bflag:$0x0] =	sbarrier.arrive $0xFFFF  }
0x58: {  	p0 =	sne.s32 s0, $0x0;
	_ =	strace $0x90000047  }
0x59: {  	s0 =	sadd.s32 @!p0 $0x100000, s2;
	[bflag:$0x2] =	sbarrier.arrive $0xFFFF  }
0x5a: {  	[sflag:s0] =	ssyncadd.tile.s32 @!p0 $0x1;
	_ =	shalt  }
.Lfunc_end2:
_tile_overlayer_lowered:
.L_overlay_start_2:
0x5b: {  	(tag) =	ssettag $0x2  }
0x5c: {  	s0 =	rddreg [dreg:$0x0];
	s2 =	stileid.u32  }
0x5d: {  	s1 =	rddreg [dreg:$0x1];
	p0 =	sne.s32 s2, $0x0  }
0x5e: {  	s3 =	rddreg [dreg:$0x2];
	[bflag:$0x3] =	sbarrier.arrive $0xFFFF;
	s2 =	simm.s32 @!p0 $0x1C06  }
0x5f: {  	[timem:s3], [sflag:s2] =	dma.local @!p0 [hbm:s0], s1  }
0x60: {  	s0 =	simm.s32 @!p0 $0x6  }
0x61: {  	_ =	swait.ge @!p0 [sflag:s0], s1  }
0x62: {  	s1 =	ssub.s32 @!p0 $0x0, s1;
	[sflag:s0] =	ssyncset.done @!p0 $0x0  }
0x63: {  	[sflag:s0] =	ssyncadd.s32 @!p0 s1  }
0x64: {  	[bflag:$0x3] =	sbarrier.arrive $0xFFFF  }
0x65: {  	_ =	shalt  }

</sc_bundles>
